<compile_context>
chip_gen: v7x
topology: tpu7x:2x2x1
jax: 0.10.2.dev20260603
libtpu: 0.0.44.dev20260713+nightly
codegen_flags: <defaults>
</compile_context>

<pallas_src>
import jax
import jax.numpy as jnp
from jax.experimental import pallas as pl
from jax.experimental.pallas import tpu as pltpu


def _nms_kernel(flat_ref, bb_ref, idx_ref, acc_ref, *, n, k_steps, img_h, img_w):
    k = pl.program_id(0)

    @pl.when(k == 0)
    def _init():
        acc_ref[...] = jnp.zeros_like(acc_ref)

    a = flat_ref[...].astype(jnp.bfloat16)
    acc_ref[...] += jax.lax.dot_general(
        a, a, (((1,), (1,)), ((), ())), preferred_element_type=jnp.float32
    )

    @pl.when(k == k_steps - 1)
    def _epilogue():
        inter = acc_ref[...]
        b = bb_ref[...]
        w = b[:, 2:3] - b[:, 0:1]
        h = b[:, 3:4] - b[:, 1:2]
        keep1 = (h * (1.0 / img_h)) <= 0.95
        keep2 = (w * (1.0 / img_w)) <= 0.95

        ii = jax.lax.broadcasted_iota(jnp.int32, (n, n), 0)
        jj = jax.lax.broadcasted_iota(jnp.int32, (n, n), 1)

        tri = jnp.where(jj <= ii, 1.0, 0.0).astype(jnp.bfloat16)
        keep1f = keep1.astype(jnp.bfloat16)
        rank1 = (
            jax.lax.dot_general(
                tri, keep1f, (((1,), (0,)), ((), ())),
                preferred_element_type=jnp.float32,
            )
            - 1.0
        )
        oh = jnp.where(jj.astype(jnp.float32) == rank1, 1.0, 0.0).astype(
            jnp.bfloat16
        )
        keep2f = keep2.astype(jnp.bfloat16)
        gathered = jax.lax.dot_general(
            oh, keep2f, (((1,), (0,)), ((), ())),
            preferred_element_type=jnp.float32,
        )
        s2_col = jnp.where(keep1, gathered, 0.0)

        eye = jnp.where(ii == jj, 1.0, 0.0)
        areas_col = jnp.sum(inter * eye, axis=1, keepdims=True)
        areas_row = jnp.sum(inter * eye, axis=0, keepdims=True)
        s2_row = jnp.sum(eye * s2_col, axis=0, keepdims=True)

        ov = (5.0 * inter > areas_col) | (5.0 * inter > areas_row)
        validp = (s2_col > 0.5) & (s2_row > 0.5)
        cond = ov & (ii < jj) & validp
        smaller_is_i = areas_col < areas_row
        condf = cond.astype(jnp.float32)
        smallf = smaller_is_i.astype(jnp.float32)
        rem_i = jnp.max(condf * smallf, axis=1, keepdims=True)
        rem_j_row = jnp.max(condf * (1.0 - smallf), axis=0, keepdims=True)
        rem_j = jnp.sum(eye * rem_j_row, axis=1, keepdims=True)
        removed = (rem_i > 0.5) | (rem_j > 0.5)

        big = (200.0 * areas_col) >= float(img_h * img_w)
        s4 = (s2_col > 0.5) & (~removed) & big

        ii_col = jax.lax.broadcasted_iota(jnp.int32, (n, 1), 0)
        cand = jnp.where(s4, ii_col, n)
        first = jnp.min(cand)
        first = jnp.where(first >= n, 0, first)
        idx_ref[0, 0] = first


def _gather_kernel(idx_ref, masks_ref, out_ref):
    out_ref[...] = masks_ref[...]


def kernel(masks, bboxes, img_h, img_w):
    n, hh, ww = masks.shape
    hw = hh * ww
    kb = 2048
    k_steps = hw // kb
    flat = masks.reshape(n, hw)

    import functools

    idx = pl.pallas_call(
        functools.partial(
            _nms_kernel, n=n, k_steps=k_steps, img_h=hh, img_w=ww
        ),
        grid=(k_steps,),
        in_specs=[
            pl.BlockSpec((n, kb), lambda k: (0, k)),
            pl.BlockSpec((n, 4), lambda k: (0, 0)),
        ],
        out_specs=pl.BlockSpec(
            (1, 1), lambda k: (0, 0), memory_space=pltpu.SMEM
        ),
        out_shape=jax.ShapeDtypeStruct((1, 1), jnp.int32),
        scratch_shapes=[pltpu.VMEM((n, n), jnp.float32)],
    )(flat, bboxes)

    out = pl.pallas_call(
        _gather_kernel,
        grid_spec=pltpu.PrefetchScalarGridSpec(
            num_scalar_prefetch=1,
            grid=(1,),
            in_specs=[
                pl.BlockSpec((1, hh, ww), lambda i, idx_ref: (idx_ref[0], 0, 0)),
            ],
            out_specs=pl.BlockSpec((1, hh, ww), lambda i, idx_ref: (0, 0, 0)),
        ),
        out_shape=jax.ShapeDtypeStruct((1, hh, ww), jnp.float32),
    )(idx.reshape((1,)), masks)
    return out.reshape(hh, ww)

# --- scband reference (transcript-rebuilt; emitter-appended) ---
"""Pipeline reference for scband-lang-sam-64596308132248 (READ-ONLY COPY).

The authoritative reference and input builder live on the scoring server;
editing this copy changes nothing except your own understanding.
"""

import jax, jax.numpy as jnp
import numpy as np


def setup_inputs(seed: int = 0) -> dict:
    key = jax.random.key(seed)
    k1, k2 = jax.random.split(key)
    N, H, W = 1000, 128, 128
    u = jax.random.uniform(k1, (N, H, W))
    masks = (u < 0.3).astype(jnp.float32)  # binary {0,1} masks like SAM output
    b = jax.random.uniform(k2, (N, 4))
    x1 = b[:, 0] * W * 0.5
    y1 = b[:, 1] * H * 0.5
    x2 = x1 + b[:, 2] * W * 0.5
    y2 = y1 + b[:, 3] * H * 0.5
    bboxes = jnp.stack([x1, y1, x2, y2], axis=1).astype(jnp.float32)  # xyxy
    return {"masks": masks, "bboxes": bboxes, "img_h": H, "img_w": W}


def reference(masks, bboxes, img_h, img_w):
    # --- forward: bbox xyxy -> xywh (bbox_output[:, 2:] -= bbox_output[:, :2]) ---
    bboxes = bboxes.at[:, 2:].set(bboxes[:, 2:] - bboxes[:, :2])

    N = masks.shape[0]

    # --- background_suppression (threshold=0.95), faithful incl. the original
    # index-mismatch bug: second filter indexes UNFILTERED bboxes with the
    # post-first-filter range. Item i (kept by filter 1) sits at position
    # rank1[i] in the filtered array, so it is tested against keep2[rank1[i]]
    # over the unfiltered bboxes. ---
    keep1 = (bboxes[:, 3] / img_h) <= 0.95
    rank1 = jnp.cumsum(keep1) - 1
    keep2_full = (bboxes[:, 2] / img_w) <= 0.95
    survives2 = keep1 & keep2_full[rank1]

    # --- subpart_suppression (threshold=0.2): pairwise intersections over
    # the ORIGINAL (unmodified-during-loop) masks, remove smaller of pair.
    # Computed at fixed shape: invalid rows zeroed, pair predicates gated by
    # validity; filtering preserves order so compressed triu == (i < j). ---
    flat = masks.reshape(N, -1) * survives2[:, None].astype(masks.dtype)
    areas = flat.sum(axis=1)
    inter = flat @ flat.T  # binary masks: product == logical AND count
    ar = jnp.arange(N)
    order = ar[:, None] < ar[None, :]
    valid = survives2[:, None] & survives2[None, :]
    cond = ((inter / areas[:, None] > 0.2) | (inter / areas[None, :] > 0.2)) & order & valid
    smaller_is_i = areas[:, None] < areas[None, :]  # ties remove j, matching torch code
    removed = (cond & smaller_is_i).any(axis=1) | (cond & (~smaller_is_i)).any(axis=0)
    survives3 = survives2 & (~removed)

    # --- small_obj_suppression (threshold=0.005) ---
    img_area = img_h * img_w
    survives4 = survives3 & ((areas / img_area) >= 0.005)

    # forward writes masks_output[0] into the batch slot and returns it (bs=1)
    first = jnp.argmax(survives4)
    return masks[first]

if __name__ == "__main__":
    import jax
    _d = setup_inputs()
    print(jax.jit(kernel)(*tuple(_d.values())))

</pallas_src>

<mosaic_0001>
module attributes {stable_mosaic.version = 14 : i64} {
  func.func @_gather_kernel(%arg0: i32, %arg1: memref<1xi32, #tpu.memory_space<smem>>, %arg2: memref<1x128x128xf32, #tpu.memory_space<vmem>>, %arg3: memref<1x128x128xf32, #tpu.memory_space<vmem>>) attributes {dimension_semantics = [#tpu.dimension_semantics<arbitrary>], iteration_bounds = array<i64: 1>, scalar_prefetch = 1 : i64, scratch_operands = 0 : i64, tpu.core_type = #tpu.core_type<tc>, window_params = [{transform_indices = @transform_0, window_bounds = array<i64: 1, 128, 128>}, {pipeline_mode = #tpu.pipeline_mode<synchronous>, transform_indices = @transform_1, window_bounds = array<i64: 1, 128, 128>}]} {
    %get3A = arith.constant 0 : index
    %get3A_0 = arith.constant 0 : index
    %get3A_1 = arith.constant 0 : index
    %get3A_2 = vector.load %arg2[%get3A, %get3A_0, %get3A_1] : memref<1x128x128xf32, #tpu.memory_space<vmem>>, vector<1x128x128xf32>
    %swap3A = arith.constant 0 : index
    %swap3A_3 = arith.constant 0 : index
    %swap3A_4 = arith.constant 0 : index
    %swap3A_5 = vector.load %arg3[%swap3A, %swap3A_3, %swap3A_4] : memref<1x128x128xf32, #tpu.memory_space<vmem>>, vector<1x128x128xf32>
    tpu.vector_store %arg3[%swap3A, %swap3A_3, %swap3A_4], %get3A_2 {strides = array<i32>} : memref<1x128x128xf32, #tpu.memory_space<vmem>>, vector<1x128x128xf32>,
    return
  }
  func.func @transform_0(%arg0: i32, %arg1: memref<1xi32, #tpu.memory_space<smem>>) -> (i32, i32, i32) {
    %get3A = arith.constant 0 : index
    %get3A_0 = memref.load %arg1[%get3A] : memref<1xi32, #tpu.memory_space<smem>>
    %c0_i32 = arith.constant 0 : i32
    %c0_i32_1 = arith.constant 0 : i32
    %c0_i32_2 = arith.constant 0 : i32
    return %get3A_0, %c0_i32, %c0_i32_1 : i32, i32, i32
  }
  func.func @transform_1(%arg0: i32, %arg1: memref<1xi32, #tpu.memory_space<smem>>) -> (i32, i32, i32) {
    %c0_i32 = arith.constant 0 : i32
    %c0_i32_0 = arith.constant 0 : i32
    %c0_i32_1 = arith.constant 0 : i32
    %c0_i32_2 = arith.constant 0 : i32
    return %c0_i32, %c0_i32_0, %c0_i32_1 : i32, i32, i32
  }
}

module attributes {stable_mosaic.version = 14 : i64} {
  func.func @_nms_kernel(%arg0: i32, %arg1: memref<1000x2048xf32, #tpu.memory_space<vmem>>, %arg2: memref<1000x4xf32, #tpu.memory_space<vmem>>, %arg3: memref<1x1xi32, #tpu.memory_space<smem>>, %arg4: memref<1000x1000xf32, #tpu.memory_space<vmem>>) attributes {dimension_semantics = [#tpu.dimension_semantics<arbitrary>], iteration_bounds = array<i64: 8>, scalar_prefetch = 0 : i64, scratch_operands = 1 : i64, tpu.core_type = #tpu.core_type<tc>, window_params = [{transform_indices = @transform_0, window_bounds = array<i64: 1000, 2048>}, {pipeline_mode = #tpu.pipeline_mode<synchronous>, transform_indices = @transform_1, window_bounds = array<i64: 1000, 4>}, {transform_indices = @transform_2, window_bounds = array<i64: 1, 1>}]} {
    %eq3A = arith.constant 0 : i32
    %eq3A_0 = arith.cmpi eq, %arg0, %eq3A : i32
    %convert_element_type3A = arith.extui %eq3A_0 : i1 to i32
    %cond3A = arith.constant 0 : i32
    %cond3A_1 = arith.cmpi ne, %convert_element_type3A, %cond3A : i32
    scf.if %cond3A_1 {
      %broadcast_in_dim3A = arith.constant 0.000000e+00 : f32
      %broadcast_in_dim3A_16 = vector.broadcast %broadcast_in_dim3A : f32 to vector<1000x1000xf32>
      %swap3A_17 = arith.constant 0 : index
      %swap3A_18 = arith.constant 0 : index
      %swap3A_19 = vector.load %arg4[%swap3A_17, %swap3A_18] : memref<1000x1000xf32, #tpu.memory_space<vmem>>, vector<1000x1000xf32>
      tpu.vector_store %arg4[%swap3A_17, %swap3A_18], %broadcast_in_dim3A_16 {strides = array<i32>} : memref<1000x1000xf32, #tpu.memory_space<vmem>>, vector<1000x1000xf32>,
    } else {
    }
    %get3A = arith.constant 0 : index
    %get3A_2 = arith.constant 0 : index
    %get3A_3 = vector.load %arg1[%get3A, %get3A_2] : memref<1000x2048xf32, #tpu.memory_space<vmem>>, vector<1000x2048xf32>
    %convert_element_type3A_4 = arith.truncf %get3A_3 : vector<1000x2048xf32> to vector<1000x2048xbf16>
    %get3A_5 = arith.constant 0 : index
    %get3A_6 = arith.constant 0 : index
    %get3A_7 = vector.load %arg4[%get3A_5, %get3A_6] : memref<1000x1000xf32, #tpu.memory_space<vmem>>, vector<1000x1000xf32>
    %dot_general3A = arith.constant dense<0.000000e+00> : vector<1000x1000xf32>
    %dot_general3A_8 = tpu.matmul %convert_element_type3A_4, %convert_element_type3A_4, %dot_general3A {dimension_numbers = #tpu.dot_dimension_numbers<[1], [1], [0], [0], [0, 0, 1, 0], [], []>, transpose_lhs_hint = false} : vector<1000x2048xbf16>, vector<1000x2048xbf16>, vector<1000x1000xf32> -> vector<1000x1000xf32>
    %add3A = arith.addf %get3A_7, %dot_general3A_8 : vector<1000x1000xf32>
    %swap3A = arith.constant 0 : index
    %swap3A_9 = arith.constant 0 : index
    %swap3A_10 = vector.load %arg4[%swap3A, %swap3A_9] : memref<1000x1000xf32, #tpu.memory_space<vmem>>, vector<1000x1000xf32>
    tpu.vector_store %arg4[%swap3A, %swap3A_9], %add3A {strides = array<i32>} : memref<1000x1000xf32, #tpu.memory_space<vmem>>, vector<1000x1000xf32>,
    %eq3A_11 = arith.constant 7 : i32
    %eq3A_12 = arith.cmpi eq, %arg0, %eq3A_11 : i32
    %convert_element_type3A_13 = arith.extui %eq3A_12 : i1 to i32
    %cond3A_14 = arith.constant 0 : i32
    %cond3A_15 = arith.cmpi ne, %convert_element_type3A_13, %cond3A_14 : i32
    scf.if %cond3A_15 {
      %get3A_16 = arith.constant 0 : index
      %get3A_17 = arith.constant 0 : index
      %get3A_18 = vector.load %arg4[%get3A_16, %get3A_17] : memref<1000x1000xf32, #tpu.memory_space<vmem>>, vector<1000x1000xf32>
      %get3A_19 = arith.constant 0 : index
      %get3A_20 = arith.constant 0 : index
      %get3A_21 = vector.load %arg2[%get3A_19, %get3A_20] : memref<1000x4xf32, #tpu.memory_space<vmem>>, vector<1000x4xf32>
      %slice3A = vector.extract_strided_slice %get3A_21 {offsets = [0, 2], sizes = [1000, 1], strides = [1, 1]} : vector<1000x4xf32> to vector<1000x1xf32>
      %slice3A_22 = vector.extract_strided_slice %get3A_21 {offsets = [0, 0], sizes = [1000, 1], strides = [1, 1]} : vector<1000x4xf32> to vector<1000x1xf32>
      %sub3A = arith.subf %slice3A, %slice3A_22 : vector<1000x1xf32>
      %slice3A_23 = vector.extract_strided_slice %get3A_21 {offsets = [0, 3], sizes = [1000, 1], strides = [1, 1]} : vector<1000x4xf32> to vector<1000x1xf32>
      %slice3A_24 = vector.extract_strided_slice %get3A_21 {offsets = [0, 1], sizes = [1000, 1], strides = [1, 1]} : vector<1000x4xf32> to vector<1000x1xf32>
      %sub3A_25 = arith.subf %slice3A_23, %slice3A_24 : vector<1000x1xf32>
      %mul3A = arith.constant 7.812500e-03 : f32
      %mul3A_26 = vector.broadcast %mul3A : f32 to vector<1000x1xf32>
      %mul3A_27 = arith.mulf %sub3A_25, %mul3A_26 : vector<1000x1xf32>
      %le3A = arith.constant 0.949999988 : f32
      %le3A_28 = vector.broadcast %le3A : f32 to vector<1000x1xf32>
      %le3A_29 = arith.cmpf ole, %mul3A_27, %le3A_28 : vector<1000x1xf32>
      %mul3A_30 = arith.constant 7.812500e-03 : f32
      %mul3A_31 = vector.broadcast %mul3A_30 : f32 to vector<1000x1xf32>
      %mul3A_32 = arith.mulf %sub3A, %mul3A_31 : vector<1000x1xf32>
      %le3A_33 = arith.constant 0.949999988 : f32
      %le3A_34 = vector.broadcast %le3A_33 : f32 to vector<1000x1xf32>
      %le3A_35 = arith.cmpf ole, %mul3A_32, %le3A_34 : vector<1000x1xf32>
      %iota3A = tpu.iota {dimensions = array<i32: 0>} : vector<1000x1000xi32>
      %iota3A_36 = tpu.iota {dimensions = array<i32: 1>} : vector<1000x1000xi32>
      %le3A_37 = arith.cmpi sle, %iota3A_36, %iota3A : vector<1000x1000xi32>
      %jit3A = arith.constant 1.000000e+00 : f32
      %jit3A_38 = arith.constant 0.000000e+00 : f32
      %broadcast_in_dim3A = vector.broadcast %jit3A : f32 to vector<1000x1000xf32>
      %broadcast_in_dim3A_39 = vector.broadcast %jit3A_38 : f32 to vector<1000x1000xf32>
      %select_n3A = arith.select %le3A_37, %broadcast_in_dim3A, %broadcast_in_dim3A_39 : vector<1000x1000xi1>, vector<1000x1000xf32>
      %convert_element_type3A_40 = arith.truncf %select_n3A : vector<1000x1000xf32> to vector<1000x1000xbf16>
      %convert_element_type3A_41 = arith.extui %le3A_29 : vector<1000x1xi1> to vector<1000x1xi32>
      %convert_element_type3A_42 = arith.sitofp %convert_element_type3A_41 : vector<1000x1xi32> to vector<1000x1xf32>
      %convert_element_type3A_43 = arith.truncf %convert_element_type3A_42 : vector<1000x1xf32> to vector<1000x1xbf16>
      %dot_general3A_44 = arith.constant dense<0.000000e+00> : vector<1000x1xf32>
      %dot_general3A_45 = tpu.matmul %convert_element_type3A_40, %convert_element_type3A_43, %dot_general3A_44 {dimension_numbers = #tpu.dot_dimension_numbers<[1], [0], [0], [1], [0, 0, 1, 1], [], []>, transpose_lhs_hint = false} : vector<1000x1000xbf16>, vector<1000x1xbf16>, vector<1000x1xf32> -> vector<1000x1xf32>
      %sub3A_46 = arith.constant 1.000000e+00 : f32
      %sub3A_47 = vector.broadcast %sub3A_46 : f32 to vector<1000x1xf32>
      %sub3A_48 = arith.subf %dot_general3A_45, %sub3A_47 : vector<1000x1xf32>
      %convert_element_type3A_49 = arith.sitofp %iota3A_36 : vector<1000x1000xi32> to vector<1000x1000xf32>
      %eq3A_50 = vector.broadcast %sub3A_48 : vector<1000x1xf32> to vector<1000x1000xf32>
      %eq3A_51 = arith.cmpf oeq, %convert_element_type3A_49, %eq3A_50 : vector<1000x1000xf32>
      %jit3A_52 = arith.constant 1.000000e+00 : f32
      %jit3A_53 = arith.constant 0.000000e+00 : f32
      %broadcast_in_dim3A_54 = vector.broadcast %jit3A_52 : f32 to vector<1000x1000xf32>
      %broadcast_in_dim3A_55 = vector.broadcast %jit3A_53 : f32 to vector<1000x1000xf32>
      %select_n3A_56 = arith.select %eq3A_51, %broadcast_in_dim3A_54, %broadcast_in_dim3A_55 : vector<1000x1000xi1>, vector<1000x1000xf32>
      %convert_element_type3A_57 = arith.truncf %select_n3A_56 : vector<1000x1000xf32> to vector<1000x1000xbf16>
      %convert_element_type3A_58 = arith.extui %le3A_35 : vector<1000x1xi1> to vector<1000x1xi32>
      %convert_element_type3A_59 = arith.sitofp %convert_element_type3A_58 : vector<1000x1xi32> to vector<1000x1xf32>
      %convert_element_type3A_60 = arith.truncf %convert_element_type3A_59 : vector<1000x1xf32> to vector<1000x1xbf16>
      %dot_general3A_61 = arith.constant dense<0.000000e+00> : vector<1000x1xf32>
      %dot_general3A_62 = tpu.matmul %convert_element_type3A_57, %convert_element_type3A_60, %dot_general3A_61 {dimension_numbers = #tpu.dot_dimension_numbers<[1], [0], [0], [1], [0, 0, 1, 1], [], []>, transpose_lhs_hint = false} : vector<1000x1000xbf16>, vector<1000x1xbf16>, vector<1000x1xf32> -> vector<1000x1xf32>
      %jit3A_63 = arith.constant 0.000000e+00 : f32
      %broadcast_in_dim3A_64 = vector.broadcast %jit3A_63 : f32 to vector<1000x1xf32>
      %select_n3A_65 = arith.select %le3A_29, %dot_general3A_62, %broadcast_in_dim3A_64 : vector<1000x1xi1>, vector<1000x1xf32>
      %eq3A_66 = arith.cmpi eq, %iota3A, %iota3A_36 : vector<1000x1000xi32>
      %jit3A_67 = arith.constant 1.000000e+00 : f32
      %jit3A_68 = arith.constant 0.000000e+00 : f32
      %broadcast_in_dim3A_69 = vector.broadcast %jit3A_67 : f32 to vector<1000x1000xf32>
      %broadcast_in_dim3A_70 = vector.broadcast %jit3A_68 : f32 to vector<1000x1000xf32>
      %select_n3A_71 = arith.select %eq3A_66, %broadcast_in_dim3A_69, %broadcast_in_dim3A_70 : vector<1000x1000xi1>, vector<1000x1000xf32>
      %mul3A_72 = arith.mulf %get3A_18, %select_n3A_71 : vector<1000x1000xf32>
      %reduce_sum3A = arith.constant dense<0.000000e+00> : vector<1000xf32>
      %reduce_sum3A_73 = vector.multi_reduction <add>, %mul3A_72, %reduce_sum3A [1] : vector<1000x1000xf32> to vector<1000xf32>
      %broadcast_in_dim3A_74 = vector.shape_cast %reduce_sum3A_73 : vector<1000xf32> to vector<1000x1xf32>
      %mul3A_75 = arith.mulf %get3A_18, %select_n3A_71 : vector<1000x1000xf32>
      %reduce_sum3A_76 = arith.constant dense<0.000000e+00> : vector<1000xf32>
      %reduce_sum3A_77 = vector.multi_reduction <add>, %mul3A_75, %reduce_sum3A_76 [0] : vector<1000x1000xf32> to vector<1000xf32>
      %broadcast_in_dim3A_78 = vector.shape_cast %reduce_sum3A_77 : vector<1000xf32> to vector<1x1000xf32>
      %mul3A_79 = vector.broadcast %select_n3A_65 : vector<1000x1xf32> to vector<1000x1000xf32>
      %mul3A_80 = arith.mulf %select_n3A_71, %mul3A_79 : vector<1000x1000xf32>
      %reduce_sum3A_81 = arith.constant dense<0.000000e+00> : vector<1000xf32>
      %reduce_sum3A_82 = vector.multi_reduction <add>, %mul3A_80, %reduce_sum3A_81 [0] : vector<1000x1000xf32> to vector<1000xf32>
      %broadcast_in_dim3A_83 = vector.shape_cast %reduce_sum3A_82 : vector<1000xf32> to vector<1x1000xf32>
      %mul3A_84 = arith.constant 5.000000e+00 : f32
      %mul3A_85 = vector.broadcast %mul3A_84 : f32 to vector<1000x1000xf32>
      %mul3A_86 = arith.mulf %mul3A_85, %get3A_18 : vector<1000x1000xf32>
      %gt3A = vector.broadcast %broadcast_in_dim3A_74 : vector<1000x1xf32> to vector<1000x1000xf32>
      %gt3A_87 = arith.cmpf ogt, %mul3A_86, %gt3A : vector<1000x1000xf32>
      %mul3A_88 = arith.constant 5.000000e+00 : f32
      %mul3A_89 = vector.broadcast %mul3A_88 : f32 to vector<1000x1000xf32>
      %mul3A_90 = arith.mulf %mul3A_89, %get3A_18 : vector<1000x1000xf32>
      %gt3A_91 = vector.broadcast %broadcast_in_dim3A_78 : vector<1x1000xf32> to vector<1000x1000xf32>
      %gt3A_92 = arith.cmpf ogt, %mul3A_90, %gt3A_91 : vector<1000x1000xf32>
      %or3A = arith.ori %gt3A_87, %gt3A_92 : vector<1000x1000xi1>
      %gt3A_93 = arith.constant 5.000000e-01 : f32
      %gt3A_94 = vector.broadcast %gt3A_93 : f32 to vector<1000x1xf32>
      %gt3A_95 = arith.cmpf ogt, %select_n3A_65, %gt3A_94 : vector<1000x1xf32>
      %gt3A_96 = arith.constant 5.000000e-01 : f32
      %gt3A_97 = vector.broadcast %gt3A_96 : f32 to vector<1x1000xf32>
      %gt3A_98 = arith.cmpf ogt, %broadcast_in_dim3A_83, %gt3A_97 : vector<1x1000xf32>
      %and3A = vector.broadcast %gt3A_95 : vector<1000x1xi1> to vector<1000x1000xi1>
      %and3A_99 = vector.broadcast %gt3A_98 : vector<1x1000xi1> to vector<1000x1000xi1>
      %and3A_100 = arith.andi %and3A, %and3A_99 : vector<1000x1000xi1>
      %lt3A = arith.cmpi slt, %iota3A, %iota3A_36 : vector<1000x1000xi32>
      %and3A_101 = arith.andi %or3A, %lt3A : vector<1000x1000xi1>
      %and3A_102 = arith.andi %and3A_101, %and3A_100 : vector<1000x1000xi1>
      %lt3A_103 = vector.broadcast %broadcast_in_dim3A_74 : vector<1000x1xf32> to vector<1000x1000xf32>
      %lt3A_104 = vector.broadcast %broadcast_in_dim3A_78 : vector<1x1000xf32> to vector<1000x1000xf32>
      %lt3A_105 = arith.cmpf olt, %lt3A_103, %lt3A_104 : vector<1000x1000xf32>
      %convert_element_type3A_106 = arith.extui %and3A_102 : vector<1000x1000xi1> to vector<1000x1000xi32>
      %convert_element_type3A_107 = arith.sitofp %convert_element_type3A_106 : vector<1000x1000xi32> to vector<1000x1000xf32>
      %convert_element_type3A_108 = arith.extui %lt3A_105 : vector<1000x1000xi1> to vector<1000x1000xi32>
      %convert_element_type3A_109 = arith.sitofp %convert_element_type3A_108 : vector<1000x1000xi32> to vector<1000x1000xf32>
      %mul3A_110 = arith.mulf %convert_element_type3A_107, %convert_element_type3A_109 : vector<1000x1000xf32>
      %reduce_max3A = arith.constant dense<0xFF800000> : vector<1000xf32>
      %reduce_max3A_111 = vector.multi_reduction <maximumf>, %mul3A_110, %reduce_max3A [1] : vector<1000x1000xf32> to vector<1000xf32>
      %broadcast_in_dim3A_112 = vector.shape_cast %reduce_max3A_111 : vector<1000xf32> to vector<1000x1xf32>
      %sub3A_113 = arith.constant 1.000000e+00 : f32
      %sub3A_114 = vector.broadcast %sub3A_113 : f32 to vector<1000x1000xf32>
      %sub3A_115 = arith.subf %sub3A_114, %convert_element_type3A_109 : vector<1000x1000xf32>
      %mul3A_116 = arith.mulf %convert_element_type3A_107, %sub3A_115 : vector<1000x1000xf32>
      %reduce_max3A_117 = arith.constant dense<0xFF800000> : vector<1000xf32>
      %reduce_max3A_118 = vector.multi_reduction <maximumf>, %mul3A_116, %reduce_max3A_117 [0] : vector<1000x1000xf32> to vector<1000xf32>
      %broadcast_in_dim3A_119 = vector.shape_cast %reduce_max3A_118 : vector<1000xf32> to vector<1x1000xf32>
      %mul3A_120 = vector.broadcast %broadcast_in_dim3A_119 : vector<1x1000xf32> to vector<1000x1000xf32>
      %mul3A_121 = arith.mulf %select_n3A_71, %mul3A_120 : vector<1000x1000xf32>
      %reduce_sum3A_122 = arith.constant dense<0.000000e+00> : vector<1000xf32>
      %reduce_sum3A_123 = vector.multi_reduction <add>, %mul3A_121, %reduce_sum3A_122 [1] : vector<1000x1000xf32> to vector<1000xf32>
      %broadcast_in_dim3A_124 = vector.shape_cast %reduce_sum3A_123 : vector<1000xf32> to vector<1000x1xf32>
      %gt3A_125 = arith.constant 5.000000e-01 : f32
      %gt3A_126 = vector.broadcast %gt3A_125 : f32 to vector<1000x1xf32>
      %gt3A_127 = arith.cmpf ogt, %broadcast_in_dim3A_112, %gt3A_126 : vector<1000x1xf32>
      %gt3A_128 = arith.constant 5.000000e-01 : f32
      %gt3A_129 = vector.broadcast %gt3A_128 : f32 to vector<1000x1xf32>
      %gt3A_130 = arith.cmpf ogt, %broadcast_in_dim3A_124, %gt3A_129 : vector<1000x1xf32>
      %or3A_131 = arith.ori %gt3A_127, %gt3A_130 : vector<1000x1xi1>
      %mul3A_132 = arith.constant 2.000000e+02 : f32
      %mul3A_133 = vector.broadcast %mul3A_132 : f32 to vector<1000x1xf32>
      %mul3A_134 = arith.mulf %mul3A_133, %broadcast_in_dim3A_74 : vector<1000x1xf32>
      %ge3A = arith.constant 1.638400e+04 : f32
      %ge3A_135 = vector.broadcast %ge3A : f32 to vector<1000x1xf32>
      %ge3A_136 = arith.cmpf oge, %mul3A_134, %ge3A_135 : vector<1000x1xf32>
      %gt3A_137 = arith.constant 5.000000e-01 : f32
      %gt3A_138 = vector.broadcast %gt3A_137 : f32 to vector<1000x1xf32>
      %gt3A_139 = arith.cmpf ogt, %select_n3A_65, %gt3A_138 : vector<1000x1xf32>
      %not3A = arith.constant dense<true> : vector<1000x1xi1>
      %not3A_140 = arith.xori %or3A_131, %not3A : vector<1000x1xi1>
      %and3A_141 = arith.andi %gt3A_139, %not3A_140 : vector<1000x1xi1>
      %and3A_142 = arith.andi %and3A_141, %ge3A_136 : vector<1000x1xi1>
      %iota3A_143 = tpu.iota {dimensions = array<i32: 0>} : vector<1000x1xi32>
      %jit3A_144 = arith.constant 1000 : i32
      %broadcast_in_dim3A_145 = vector.broadcast %jit3A_144 : i32 to vector<1000x1xi32>
      %select_n3A_146 = arith.select %and3A_142, %iota3A_143, %broadcast_in_dim3A_145 : vector<1000x1xi1>, vector<1000x1xi32>
      %reduce_min3A = vector.shape_cast %select_n3A_146 : vector<1000x1xi32> to vector<1x1000x1xi32>
      %reduce_min3A_147 = arith.constant dense<2147483647> : vector<1xi32>
      %reduce_min3A_148 = vector.multi_reduction <minsi>, %reduce_min3A, %reduce_min3A_147 [1, 2] : vector<1x1000x1xi32> to vector<1xi32>
      %reduce_min3A_149 = vector.shape_cast %reduce_min3A_148 : vector<1xi32> to vector<1x1x1xi32>
      %reduce_min3A_150 = vector.extract %reduce_min3A_149[0, 0, 0] : i32 from vector<1x1x1xi32>
      %ge3A_151 = arith.constant 1000 : i32
      %ge3A_152 = arith.cmpi sge, %reduce_min3A_150, %ge3A_151 : i32
      %jit3A_153 = arith.constant 0 : i32
      %select_n3A_154 = arith.select %ge3A_152, %jit3A_153, %reduce_min3A_150 : i32
      %swap3A_155 = arith.constant 0 : index
      %swap3A_156 = arith.constant 0 : index
      %swap3A_157 = memref.load %arg3[%swap3A_155, %swap3A_156] : memref<1x1xi32, #tpu.memory_space<smem>>
      memref.store %select_n3A_154, %arg3[%swap3A_155, %swap3A_156] : memref<1x1xi32, #tpu.memory_space<smem>>
    } else {
    }
    return
  }
  func.func @transform_0(%arg0: i32) -> (i32, i32) {
    %c0_i32 = arith.constant 0 : i32
    %c0_i32_0 = arith.constant 0 : i32
    return %c0_i32, %arg0 : i32, i32
  }
  func.func @transform_1(%arg0: i32) -> (i32, i32) {
    %c0_i32 = arith.constant 0 : i32
    %c0_i32_0 = arith.constant 0 : i32
    %c0_i32_1 = arith.constant 0 : i32
    return %c0_i32, %c0_i32_0 : i32, i32
  }
  func.func @transform_2(%arg0: i32) -> (i32, i32) {
    %c0_i32 = arith.constant 0 : i32
    %c0_i32_0 = arith.constant 0 : i32
    %c0_i32_1 = arith.constant 0 : i32
    return %c0_i32, %c0_i32_0 : i32, i32
  }
}

</mosaic_0001>

<sc_bundles>
// kernel: sparse-core-data-format-call.cloned.1.call-start
scs
called_computation_lowered:
.L_overlay_start_0:
0x0: {  	s2 =	sld [smem:$0x3FD9]  }
0x1: {  	s3 =	sld [smem:$0x3FFE];
	_ =	sdelay $0x1  }
0x2: {  	s1 =	srdreg.scid  }
0x3: {  	s0 =	sand.u32 $0x1, s1  }
0x4: {  	s18 =	sshll.u32 s0, $0xA;
	s2 =	sadd.s32 s3, s2  }
0x5: {  	s2 =	sadd.s32 s2, s18  }
0x6: {  	[smem:$0x3FC6] =	sst s2  }
0x7: {  	_ = 	snop  }
0x8: {  	s2 =	sld [smem:$0x3FC9];
	(tm) =	ssettm $0x1  }
0x9: {  	s19 =	sld [smem:$0x3FFB];
	_ =	sdelay $0x3  }
0xa: {  	_ =	strace s19  }
0xb: {  	s3 =	sld [smem:$0x3FFC];
	_ =	sdelay $0x3  }
0xc: {  	_ =	strace s3  }
0xd: {  	s3 =	sld [smem:$0x3FFD];
	_ =	sdelay $0x3  }
0xe: {  	_ =	strace s3  }
0xf: {  	_ =	strace $0x8FFFFFFF  }
0x10: {  	s20 =	sld [smem:$0x3FDB];
	_ =	sdelay $0x1  }
0x11: {  	s4 =	simm.s32 $_scs_section_size  }
0x12: {  	s5 =	simm.s32 $_size__tile_overlayer_lowered;
	s6 =	simm.s32 $_tile_overlayer_lowered  }
0x13: {  	s23 =	simm.s32 $0x1BFF;
	s22 =	sshll.u32 s6, $0x1;
	s3 =	sadd.s32 s4, s20  }
0x14: {  	s7 =	simm.s32 $0x0;
	s21 =	sshll.u32 s5, $0x1;
	s5 =	sadd.s32 s22, s3  }
0x15: {  	[timem:s7], [sflag:s23] =	dma.local [hbm:s5], s21  }
0x16: {  	_ =	swait.ge [sflag:s23], s21  }
0x17: {  	s4 =	ssub.s32 $0x0, s21;
	[sflag:s23] =	ssyncset.done $0x0  }
0x18: {  	[sflag:s23] =	ssyncadd.s32 s4;
	_ =	sdelay $0x1  }
0x19: {  	s24 =	simm.s32 $0x1B8B  }
0x1a: {  	_ =	swait.ge [sflag:s24], $0x1  }
0x1b: {  	[sflag:s24] =	ssyncset.done $0x0  }
0x1c: {  	s26 =	simm.s32 $0x1B8E;
	s25 =	sld [smem:$0x3FFE];
	[sflag:s24] =	ssyncadd.s32 $0xFFFFFFFF  }
0x1d: {  	s27 =	simm.s32 $execute0_lowered;
	[smem:$0x3FD2] =	sst s26  }
0x1e: {  	s5 =	sshll.u32 s27, $0x1;
	_ =	strace $0x80000046;
	[dreg:$0x1] =	wrdreg $0xFFFFFFFF  }
0x1f: {  	s28 =	simm.s32 $_size_execute0_lowered;
	s3 =	sadd.s32 s3, s5;
	[dreg:$0x0] =	wrdreg $0x0  }
0x20: {  	s5 =	sshll.u32 s28, $0x1;
	[dreg:$0x2] =	wrdreg s3  }
0x21: {  	[dreg:$0x3] =	wrdreg s5  }
0x22: {  	[dreg:$0x4] =	wrdreg $0xC0  }
0x23: {  	_ =	task [dreg:s7], $0x5FFFF  }
0x24: {  	[dreg:$0x1] =	wrdreg $0xFFFFFFFF  }
0x25: {  	[dreg:$0x0] =	wrdreg $0x60  }
0x26: {  	[dreg:$0x2] =	wrdreg s2  }
0x27: {  	[dreg:$0x3] =	wrdreg s25  }
0x28: {  	[dreg:$0x4] =	wrdreg $0x9  }
0x29: {  	_ =	task.clear_ibuf [dreg:s7], $0x5FFFF;
	_ =	strace $0x90000046  }
0x2a: {  	s29 =	simm.s32 $0x9;
	_ =	strace $0x80000048  }
0x2b: {  	_ =	swait.ge [sflag:s29], $0x1  }
0x2c: {  	[sflag:s29] =	ssyncadd.s32 $0xFFFFFFFF  }
0x2d: {  	_ =	strace $0x90000048  }
0x2e: {  	_ =	sfence  }
0x2f: {  	s30 =	sld [smem:$0x0];
	_ =	sdelay $0x2  }
0x30: {  	s31 =	sshll.u32 s1, $0xD;
	s1 =	sshrl.u32 s1, $0x2  }
0x31: {  	s3 =	sand.u32 $0x4000, s31;
	s1 =	sadd.s32 s1, s30  }
0x32: {  	s0 =	sor.u32 s3, s0;
	s1 =	sshll.u32 s1, $0x11  }
0x33: {  	s0 =	sor.u32 s1, s0  }
0x34: {  	s0 =	sadd.s32 $0x8F2B, s0  }
0x35: {  	[sflag:s0] =	ssyncadd.remote.s32 $0x1  }
0x36: {  	_ =	sfence.sel $0xFFFF  }
0x37: {  	[dreg:$0x0] =	wrdreg $0xFFFFFFFF;
	(pc) =	sbr.abs _section_cstart, $3  }
0x38: {  	[dreg:$0x1] =	wrdreg $0xFFFFFFFF  }
0x39: {  	_ =	task.clear_ibuf [dreg:s7], $0x2FFFF;
	_ =	strace $0x9FFFFFFF  }
0x3a: {  	(tm) =	ssettm $0x7FFFFFFF  }
0x3b: {  	_ =	shalt  }
tec
execute0_lowered:
.L_overlay_start_1:
0x0: {  	(tag) =	ssettag $0x1  }
0x1: {  	s7 =	rddreg [dreg:$0x0]  }
0x2: {  	s1 =	rddreg [dreg:$0x1]  }
0x3: {  	s0 =	rddreg [dreg:$0x2];
	s2 =	srdreg.scid;
	_ =	strace $0x80000047  }
0x4: {  	s4 =	simm.s32 $0x1;
	s8 =	simm.s32 $0x2;
	s13 =	simm.s32 $0x0  }
0x5: {  	p0 =	por $0x0, $0x0;
	s10 =	simm.s32 $0x400;
	s14 =	simm.s32 $0x0  }
0x6: {  	s12 =	simm.s32 $0x0;
	s3 =	sshll.u32 s2, $0x4;
	s2 =	sadd.s32 $0x600, s1  }
.Ltmp0:
0x7: {  	s1 =	stileid.u32;
	s3 =	sand.u32 $0x10, s3;
	(pc) =	sbr.rel .LBB1_1-.Ltmp0, $4  }
0x8: {  	[sflag:s4] =	ssyncpa.u1 $0x0;
	s5 =	sor.u32 s1, s3;
	s3 =	sand.u32 $0x3, s1  }
0x9: {  	[sflag:s8] =	ssyncpa.u1 $0x0;
	s5 =	sshrl.u32 s5, $0x2;
	s6 =	ssub.s32 $0x80, s3  }
0xa: {  	s11 =	smov.u32 s3;
	s6 =	sshrl.u32 s6, $0x2;
	s9 =	sshll.u32 s5, $0xB  }
0xb: {  	s7 =	sadd.s32 s7, s9;
	s8 =	sadd.s32 $0x1, s6;
	s9 =	simm.s32 $0x80  }
.LBB1_4:
0xc: {  	_ =	sdelay $0x3  }
0xd: {  	[tilespmem:v0+s16+$0xFFFFFFA0 ss:$0x1] =	vst.idx.msk $0xffff, v6  }
0xe: {  	v56 =	vld.idx.msk [tilespmem:v1+s17+$0x30 ss:$0x1], $0xffff;
	[tilespmem:v0+s16+$0xFFFFFFB0 ss:$0x1] =	vst.idx.msk $0xffff, v4  }
0xf: {  	v57 =	vld.idx.msk [tilespmem:v1+s17+$0xFFFFFFC0 ss:$0x1], $0xffff;
	[tilespmem:v0+s16+$0xFFFFFFC0 ss:$0x1] =	vst.idx.msk $0xffff, v2  }
0x10: {  	v58 =	vld.idx.msk [tilespmem:v1+s17+$0xFFFFFFD0 ss:$0x1], $0xffff;
	[tilespmem:v0+s16+$0xFFFFFFD0 ss:$0x1] =	vst.idx.msk $0xffff, v3  }
0x11: {  	v59 =	vld.idx.msk [tilespmem:v1+s17+$0xFFFFFFE0 ss:$0x1], $0xffff;
	[tilespmem:v0+s16+$0xFFFFFFE0 ss:$0x1] =	vst.idx.msk $0xffff, v5  }
0x12: {  	v60 =	vld.idx.msk [tilespmem:v1+s17+$0xFFFFFFF0 ss:$0x1], $0xffff;
	[tilespmem:v0+s16+$0xFFFFFFF0 ss:$0x1] =	vst.idx.msk $0xffff, v7  }
0x13: {  	v61 =	vld.idx.msk [tilespmem:v1+s17+$0x0 ss:$0x1], $0xffff;
	[tilespmem:v0+s17+$0x0 ss:$0x1] =	vst.idx.msk $0xffff, v56  }
0x14: {  	v62 =	vld.idx.msk [tilespmem:v1+s17+$0x10 ss:$0x1], $0xffff;
	[tilespmem:v0+s17+$0xFFFFFF90 ss:$0x1] =	vst.idx.msk $0xffff, v57  }
0x15: {  	v63 =	vld.idx.msk [tilespmem:v1+s17+$0x20 ss:$0x1], $0xffff;
	[tilespmem:v0+s17+$0xFFFFFFA0 ss:$0x1] =	vst.idx.msk $0xffff, v58  }
0x16: {  	[tilespmem:v0+s17+$0xFFFFFFB0 ss:$0x1] =	vst.idx.msk $0xffff, v59  }
0x17: {  	[tilespmem:v0+s17+$0xFFFFFFC0 ss:$0x1] =	vst.idx.msk $0xffff, v60  }
0x18: {  	s14 =	sshll.u32 s14, $0xE;
	s13 =	sshll.u32 s13, $0x4;
	[tilespmem:v0+s17+$0xFFFFFFD0 ss:$0x1] =	vst.idx.msk $0xffff, v61  }
0x19: {  	s13 =	sand.u32 $0x70, s13;
	s14 =	sadd.s32 s2, s14;
	[tilespmem:v0+s17+$0xFFFFFFE0 ss:$0x1] =	vst.idx.msk $0xffff, v62  }
0x1a: {  	s13 =	sadd.s32 s13, s14;
	[tilespmem:v0+s17+$0xFFFFFFF0 ss:$0x1] =	vst.idx.msk $0xffff, v63  }
0x1b: {  	[hbm4b:s13+s9] =	stream.strided.scatter [tilespmem:s15], [sflag:$0x2], $0x4000, s10, s9, $0x38;
	[tilespmem:$0x10000] =	vst v63  }
.LBB1_5:
0x1c: {  	s15 =	sadd.s32 $0x4, s11  }
0x1d: {  	p2 =	sgt.s32 s15, $0x7C  }
0x1e: {  	s15 =	smov.u32 @p2 s3;
	p2 =	sne.s32 s12, s8  }
.Ltmp1:
0x1f: {  	p1 =	slt.u32 s12, $0x2;
	(pc) =	sbr.rel @!p2 .LBB1_6-.Ltmp1, $4  }
0x20: {  	s13 =	simm.s32 @!p1 $0x2  }
0x21: {  	s16 =	sadd.s32 $0x1, s12;
	s14 =	smov.u32 s11;
	_ =	swait.ge @!p1 [sflag:s13], $0x4000  }
0x22: {  	p0 =	por !p0, !p0;
	s12 =	smov.u32 s16;
	[sflag:s13] =	ssyncset.done @!p1 $0x0  }
0x23: {  	s11 =	smov.u32 s15;
	[sflag:s13] =	ssyncadd.s32 @!p1 $0xFFFFC000;
	s13 =	smov.u32 s5  }
.LBB1_1:
0x24: {  	p1 =	sge.u32 s12, s6  }
0x25: {  	s15 =	sxor.u32 @!p1 $0xFFFFFFFF, s12  }
0x26: {  	s31 =	sadd.s32 $0xFFFFFFFF, s12;
	s16 =	sshll.u32 @!p1 s11, $0xE;
	s15 =	sshll.u32 @!p1 s15, $0xE  }
0x27: {  	s17 =	simm.s32 @!p1 $0x0;
	s16 =	sadd.s32 @!p1 s16, s7;
	s15 =	sand.u32 @!p1 $0x4000, s15  }
0x28: {  	[tilespmem:s15], [sflag:$0x1] =	stream.linear.gather @!p1 [hbm4b:s16+s17], $0x4000, $0x38;
	[tilespmem:$0x10000] =	vst v63  }
0x29: {  	p1 =	sge.u32 s31, s6  }
.Ltmp2:
0x2a: {  	_ = 	snop;
	(pc) =	sbr.rel @p1 .LBB1_5-.Ltmp2, $1  }
0x2b: {  	_ =	sdelay $0x3  }
0x2c: {  	s15 =	simm.s32 $0x1  }
0x2d: {  	s15 =	simm.s32 @!p0 $0x0  }
0x2e: {  	s15 =	sshll.u32 s15, $0xE  }
0x2f: {  	s16 =	sor.u32 $0x40, s15  }
0x30: {  	v1 =	vmov s16;
	_ =	sdelay $0x1  }
0x31: {  	_ =	swait.ge [sflag:s4], $0x4000  }
0x32: {  	[sflag:s4] =	ssyncset.done $0x0  }
0x33: {  	[sflag:s4] =	ssyncadd.s32 $0xFFFFC000;
	s16 =	simm.s32 $0x0  }
0x34: {  	s15 =	sor.u32 $0x8070, s15;
	v7 =	vld.idx.msk [tilespmem:v1+s16+$0x30 ss:$0x1], $0xffff  }
0x35: {  	v0 =	vmov s15;
	v8 =	vld.idx.msk [tilespmem:v1+s16+$0xFFFFFFC0 ss:$0x1], $0xffff  }
0x36: {  	v6 =	vld.idx.msk [tilespmem:v1+s16+$0xFFFFFFD0 ss:$0x1], $0xffff  }
0x37: {  	v4 =	vld.idx.msk [tilespmem:v1+s16+$0xFFFFFFE0 ss:$0x1], $0xffff  }
0x38: {  	v2 =	vld.idx.msk [tilespmem:v1+s16+$0xFFFFFFF0 ss:$0x1], $0xffff  }
0x39: {  	s31 =	sshll.u32 s12, $0xE;
	v3 =	vld.idx.msk [tilespmem:v1+s16+$0x0 ss:$0x1], $0xffff  }
0x3a: {  	s15 =	sand.u32 $0x4000, s31;
	v5 =	vld.idx.msk [tilespmem:v1+s16+$0x10 ss:$0x1], $0xffff;
	[tilespmem:v0+s16+$0x0 ss:$0x1] =	vst.idx.msk $0xffff, v7  }
0x3b: {  	s17 =	simm.s32 $0x80;
	s18 =	simm.s32 $0x400;
	s15 =	sor.u32 $0x8000, s15;
	[tilespmem:v0+s16+$0xFFFFFF90 ss:$0x1] =	vst.idx.msk $0xffff, v8;
	v7 =	vld.idx.msk [tilespmem:v1+s16+$0x20 ss:$0x1], $0xffff  }
.LBB1_3:
0x3c: {  	p1 =	sne.s32 s18, $0xFE00;
	v8 =	vld.idx.msk [tilespmem:v1+s17+$0x30 ss:$0x1], $0xffff;
	[tilespmem:v0+s16+$0xFFFFFFA0 ss:$0x1] =	vst.idx.msk $0xffff, v6  }
0x3d: {  	v9 =	vld.idx.msk [tilespmem:v1+s17+$0xFFFFFFC0 ss:$0x1], $0xffff;
	[tilespmem:v0+s16+$0xFFFFFFB0 ss:$0x1] =	vst.idx.msk $0xffff, v4  }
0x3e: {  	v6 =	vld.idx.msk [tilespmem:v1+s17+$0xFFFFFFD0 ss:$0x1], $0xffff;
	[tilespmem:v0+s16+$0xFFFFFFC0 ss:$0x1] =	vst.idx.msk $0xffff, v2  }
.Ltmp3:
0x3f: {  	v4 =	vld.idx.msk [tilespmem:v1+s17+$0xFFFFFFE0 ss:$0x1], $0xffff;
	[tilespmem:v0+s16+$0xFFFFFFD0 ss:$0x1] =	vst.idx.msk $0xffff, v3;
	(pc) =	sbr.rel @p1 .LBB1_3-.Ltmp3, $4  }
0x40: {  	v2 =	vld.idx.msk [tilespmem:v1+s17+$0xFFFFFFF0 ss:$0x1], $0xffff;
	[tilespmem:v0+s16+$0xFFFFFFE0 ss:$0x1] =	vst.idx.msk $0xffff, v5  }
0x41: {  	v3 =	vld.idx.msk [tilespmem:v1+s17+$0x0 ss:$0x1], $0xffff;
	[tilespmem:v0+s16+$0xFFFFFFF0 ss:$0x1] =	vst.idx.msk $0xffff, v7;
	s16 =	smov.u32 s17  }
0x42: {  	v5 =	vld.idx.msk [tilespmem:v1+s16+$0x10 ss:$0x1], $0xffff;
	[tilespmem:v0+s16+$0x0 ss:$0x1] =	vst.idx.msk $0xffff, v8  }
0x43: {  	s17 =	sshra.s32 s18, $0x2;
	s18 =	sadd.s32 $0x200, s18;
	[tilespmem:v0+s16+$0xFFFFFF90 ss:$0x1] =	vst.idx.msk $0xffff, v9;
	v7 =	vld.idx.msk [tilespmem:v1+s16+$0x20 ss:$0x1], $0xffff  }
.Ltmp4:
0x44: {  	_ = 	snop;
	(pc) =	sbr.rel .LBB1_4-.Ltmp4, $1  }
0x45: {  	_ =	sdelay $0x3  }
.LBB1_6:
0x46: {  	_ =	sfence.sel $0x180000  }
0x47: {  	s2 =	simm.s32 $0x1;
	[bflag:$0x0] =	sbarrier.arrive $0xFFFF  }
0x48: {  	s31 =	simm.s32 $0x2;
	[sflag:s2] =	ssyncpa.u1 $0x1  }
0x49: {  	[sflag:s31] =	ssyncpa.u1 $0x1  }
0x4a: {  	p0 =	sne.s32 s1, $0x0;
	_ =	strace $0x90000047  }
0x4b: {  	s0 =	sadd.s32 @!p0 $0x100000, s0;
	[bflag:$0x2] =	sbarrier.arrive $0xFFFF  }
0x4c: {  	[sflag:s0] =	ssyncadd.tile.s32 @!p0 $0x1;
	_ =	shalt  }
.Lfunc_end1:
_tile_overlayer_lowered:
.L_overlay_start_2:
0x4d: {  	(tag) =	ssettag $0x2  }
0x4e: {  	s0 =	rddreg [dreg:$0x0];
	s2 =	stileid.u32  }
0x4f: {  	s1 =	rddreg [dreg:$0x1];
	p0 =	sne.s32 s2, $0x0  }
0x50: {  	s3 =	rddreg [dreg:$0x2];
	[bflag:$0x3] =	sbarrier.arrive $0xFFFF;
	s2 =	simm.s32 @!p0 $0x1C01  }
0x51: {  	[timem:s3], [sflag:s2] =	dma.local @!p0 [hbm:s0], s1  }
0x52: {  	s0 =	simm.s32 @!p0 $0x1  }
0x53: {  	_ =	swait.ge @!p0 [sflag:s0], s1  }
0x54: {  	s1 =	ssub.s32 @!p0 $0x0, s1;
	[sflag:s0] =	ssyncset.done @!p0 $0x0  }
0x55: {  	[sflag:s0] =	ssyncadd.s32 @!p0 s1  }
0x56: {  	[bflag:$0x3] =	sbarrier.arrive $0xFFFF  }
0x57: {  	_ =	shalt  }

</sc_bundles>
